<compile_context>
chip_gen: v7x
topology: tpu7x:2x2x1
jax: 0.10.2.dev20260603
libtpu: 0.0.44.dev20260713+nightly
codegen_flags: <defaults>
</compile_context>

<pallas_src>
import functools

import jax
import jax.numpy as jnp
from jax import lax
from jax.experimental import pallas as pl
from jax.experimental.pallas import tpu as pltpu
from jax.experimental.pallas import tpu_sc as plsc
from jax._src.pallas import mpmd as _mpmd

K = 10
NEG = -1000000000.0
ROWS = 128
COLS = 32768
SEG = 128
NSEG = COLS // SEG
IDXW = 16
NC = 2
NS = 16
NWORK = NC * NS
PERW = ROWS * IDXW // NWORK


def _tc_body(x_ref, idx_ref):
    data = x_ref[...]
    r = ROWS
    smax = jnp.max(data, axis=2)
    segiota = lax.broadcasted_iota(jnp.int32, (r, NSEG), 1)
    neginf = jnp.float32(-jnp.inf)

    sm = smax
    segs = []
    for _ in range(K):
        m = jnp.max(sm, axis=1, keepdims=True)
        sj = jnp.min(
            jnp.where(sm == m, segiota, jnp.int32(NSEG)), axis=1, keepdims=True
        )
        segs.append(sj)
        sm = jnp.where(segiota == sj, neginf, sm)
    segmat = jnp.concatenate(segs, axis=1)

    siota = lax.broadcasted_iota(jnp.int32, (r, K, NSEG), 2)
    onehot = (siota == segmat.reshape(r, K, 1)).astype(jnp.float32)
    ext = jax.lax.dot_general(
        onehot,
        data,
        (((2,), (1,)), ((0,), (0,))),
        precision=lax.Precision.HIGHEST,
        preferred_element_type=jnp.float32,
    ).reshape(r, K * SEG)

    laneiota = lax.broadcasted_iota(jnp.int32, (r, K, SEG), 2)
    gcol = (segmat.reshape(r, K, 1) * SEG + laneiota).reshape(r, K * SEG)
    idxs = []
    for _ in range(K):
        m = jnp.max(ext, axis=1, keepdims=True)
        idx = jnp.min(
            jnp.where(ext == m, gcol, jnp.int32(COLS)), axis=1, keepdims=True
        )
        idxs.append(idx)
        ext = jnp.where(gcol == idx, neginf, ext)
    flat = jnp.concatenate(idxs + [idxs[0]] * (IDXW - K), axis=1)
    base = lax.broadcasted_iota(jnp.int32, (r, IDXW), 0)
    idx_ref[...] = flat + base * COLS


_tc_call = pl.pallas_call(
    _tc_body,
    in_specs=[pl.BlockSpec((ROWS, NSEG, SEG), lambda: (0, 0, 0))],
    out_specs=pl.BlockSpec((ROWS, IDXW), lambda: (0, 0)),
    out_shape=jax.ShapeDtypeStruct((ROWS, IDXW), jnp.int32),
)


@functools.cache
def _get_sc_scatter():
    mesh = plsc.VectorSubcoreMesh(core_axis_name="c", subcore_axis_name="s")

    def _sc_scatter(src_ref, idx_ref, out_ref, idx_v, vals_v, sem):
        del src_ref
        w = lax.axis_index("s") * NC + lax.axis_index("c")
        base = w * PERW
        pltpu.sync_copy(idx_ref.at[pl.ds(base, PERW)], idx_v)
        for c in range(PERW // 16):
            vals_v[pl.ds(c * 16, 16)] = jnp.full((16,), NEG, jnp.float32)
        pltpu.async_copy(vals_v, out_ref.at[idx_v], sem).wait()

    return _mpmd._mpmd_map(
        [(mesh, _sc_scatter)],
        jax.ShapeDtypeStruct((ROWS * COLS,), jnp.float32),
        input_output_aliases={0: 0},
        scratch_types=[
            pltpu.VMEM((PERW,), jnp.int32),
            pltpu.VMEM((PERW,), jnp.float32),
            pltpu.SemaphoreType.DMA,
        ],
    )


def kernel(x):
    idx = _tc_call(x.reshape(ROWS, NSEG, SEG))
    buf = x.reshape(ROWS * COLS)
    out = _get_sc_scatter()(buf, idx.reshape(ROWS * IDXW))
    return out.reshape(ROWS, COLS)

# --- scband reference (transcript-rebuilt; emitter-appended) ---
"""Pipeline reference for scband-stkim-44427141709907 (READ-ONLY COPY).

The authoritative reference and input builder live on the scoring server;
editing this copy changes nothing except your own understanding.
"""

import jax, jax.numpy as jnp
import numpy as np

BRANCHES_COUNT = 5
MASK_RATE = 0.6
K = 10

def setup_inputs(seed: int = 0) -> dict:
    key = jax.random.key(seed)
    x = jax.random.normal(jax.random.fold_in(key, 0), (128, 32768), dtype=jnp.float32)
    return {"x": x}

def reference(x):
    # Faithful translation of STKIM.forward in training mode (torch default).
    k_rows, n = x.shape
    n_patches_to_mask = min(K, n)
    # torch.topk -> jax.lax.top_k
    _, indices = jax.lax.top_k(x, n_patches_to_mask)  # [k_rows, n_patches_to_mask]
    # torch.rand -> jax.random.uniform with a fixed key (deterministic stand-in)
    rkey = jax.random.fold_in(jax.random.key(0), 1)
    rand = jax.random.uniform(rkey, indices.shape, dtype=jnp.float32)
    rand_selected = jnp.argsort(rand, axis=-1)[:, int(n_patches_to_mask * MASK_RATE)]  # [k_rows]
    # indices[arange(k_rows)[:,None], rand_selected] broadcasts to [k_rows, k_rows]
    row_idx = jnp.arange(k_rows)[:, None]
    masked_indices = indices[row_idx, rand_selected[None, :]]  # [k_rows, k_rows]
    random_mask = jnp.ones((k_rows, n), dtype=x.dtype)
    # scatter-overwrite -> .at[...].set
    random_mask = random_mask.at[row_idx, masked_indices].set(0.0)
    x = jnp.where(random_mask == 0, jnp.asarray(-1000000000.0, dtype=x.dtype), x)
    return x

if __name__ == "__main__":
    import jax
    _d = setup_inputs()
    print(jax.jit(kernel)(*tuple(_d.values())))

</pallas_src>

<mosaic_0001>
#map = affine_map<(d0, d1) -> (0)>
module attributes {stable_mosaic.version = 14 : i64} {
  func.func @_sc_scatter(%arg0: i32, %arg1: i32, %arg2: memref<4194304xf32, #tpu.memory_space<hbm>>, %arg3: memref<2048xi32, #tpu.memory_space<hbm>>, %arg4: memref<4194304xf32, #tpu.memory_space<hbm>>, %arg5: memref<64xi32, #tpu.memory_space<vmem>>, %arg6: memref<64xf32, #tpu.memory_space<vmem>>, %arg7: memref<!tpu.dma_semaphore, #tpu.memory_space<semaphore_mem>>) attributes {dimension_semantics = [#tpu.dimension_semantics<core_parallel>, #tpu.dimension_semantics<subcore_parallel>], iteration_bounds = array<i64: 2, 16>, scalar_prefetch = 0 : i64, scratch_operands = 3 : i64, tpu.core_type = #tpu.core_type<sc_vector_subcore>, window_params = [{transform_indices = #map}, {transform_indices = #map}, {transform_indices = #map}]} {
    %mul3A = arith.constant 2 : i32
    %mul3A_0 = arith.muli %arg1, %mul3A : i32
    %add3A = arith.addi %mul3A_0, %arg0 : i32
    %mul3A_1 = arith.constant 64 : i32
    %mul3A_2 = arith.muli %add3A, %mul3A_1 : i32
    "tpu.region"() ({
      %run_scoped3A = tpu.sem_alloc : memref<!tpu.dma_semaphore, #tpu.memory_space<semaphore_mem>>
      %dma_start3A_27 = tpu.memref_slice %arg3[%mul3A_2] : memref<2048xi32, #tpu.memory_space<hbm>> -> memref<64xi32, #tpu.memory_space<hbm>>
      %dma_start3A_28 = tpu.memref_slice %arg3[%mul3A_2] : memref<2048xi32, #tpu.memory_space<hbm>> -> memref<64xi32, #tpu.memory_space<hbm>>
      tpu.enqueue_dma source(%dma_start3A_28 : memref<64xi32, #tpu.memory_space<hbm>>) target(%arg5 : memref<64xi32, #tpu.memory_space<vmem>>) target_semaphore(%run_scoped3A : memref<!tpu.dma_semaphore, #tpu.memory_space<semaphore_mem>>)
      %dma_wait3A_29 = tpu.memref_slice %arg3[%mul3A_2] : memref<2048xi32, #tpu.memory_space<hbm>> -> memref<64xi32, #tpu.memory_space<hbm>>
      %dma_wait3A_30 = tpu.memref_slice %arg3[%mul3A_2] : memref<2048xi32, #tpu.memory_space<hbm>> -> memref<64xi32, #tpu.memory_space<hbm>>
      tpu.wait_dma2 semaphore(%run_scoped3A : memref<!tpu.dma_semaphore, #tpu.memory_space<semaphore_mem>>) src(%dma_wait3A_30 : memref<64xi32, #tpu.memory_space<hbm>>) dst(%arg5 : memref<64xi32, #tpu.memory_space<vmem>>)
      tpu.yield
    }) : () -> ()
    %broadcast_in_dim3A = arith.constant -1.000000e+09 : f32
    %broadcast_in_dim3A_3 = vector.broadcast %broadcast_in_dim3A : f32 to vector<16xf32>
    %swap3A = arith.constant 0 : index
    %swap3A_4 = tpu.vector_load %arg6[%swap3A] {strides = array<i32>} : memref<64xf32, #tpu.memory_space<vmem>>, vector<16xf32>,
    %swap3A_5 = vector.shape_cast %swap3A_4 : vector<16xf32> to vector<16xf32>
    %swap3A_6 = vector.shape_cast %broadcast_in_dim3A_3 : vector<16xf32> to vector<16xf32>
    tpu.vector_store %arg6[%swap3A], %swap3A_6 {strides = array<i32>} : memref<64xf32, #tpu.memory_space<vmem>>, vector<16xf32>,
    %broadcast_in_dim3A_7 = arith.constant -1.000000e+09 : f32
    %broadcast_in_dim3A_8 = vector.broadcast %broadcast_in_dim3A_7 : f32 to vector<16xf32>
    %swap3A_9 = arith.constant 16 : index
    %swap3A_10 = tpu.vector_load %arg6[%swap3A_9] {strides = array<i32>} : memref<64xf32, #tpu.memory_space<vmem>>, vector<16xf32>,
    %swap3A_11 = vector.shape_cast %swap3A_10 : vector<16xf32> to vector<16xf32>
    %swap3A_12 = vector.shape_cast %broadcast_in_dim3A_8 : vector<16xf32> to vector<16xf32>
    tpu.vector_store %arg6[%swap3A_9], %swap3A_12 {strides = array<i32>} : memref<64xf32, #tpu.memory_space<vmem>>, vector<16xf32>,
    %broadcast_in_dim3A_13 = arith.constant -1.000000e+09 : f32
    %broadcast_in_dim3A_14 = vector.broadcast %broadcast_in_dim3A_13 : f32 to vector<16xf32>
    %swap3A_15 = arith.constant 32 : index
    %swap3A_16 = tpu.vector_load %arg6[%swap3A_15] {strides = array<i32>} : memref<64xf32, #tpu.memory_space<vmem>>, vector<16xf32>,
    %swap3A_17 = vector.shape_cast %swap3A_16 : vector<16xf32> to vector<16xf32>
    %swap3A_18 = vector.shape_cast %broadcast_in_dim3A_14 : vector<16xf32> to vector<16xf32>
    tpu.vector_store %arg6[%swap3A_15], %swap3A_18 {strides = array<i32>} : memref<64xf32, #tpu.memory_space<vmem>>, vector<16xf32>,
    %broadcast_in_dim3A_19 = arith.constant -1.000000e+09 : f32
    %broadcast_in_dim3A_20 = vector.broadcast %broadcast_in_dim3A_19 : f32 to vector<16xf32>
    %swap3A_21 = arith.constant 48 : index
    %swap3A_22 = tpu.vector_load %arg6[%swap3A_21] {strides = array<i32>} : memref<64xf32, #tpu.memory_space<vmem>>, vector<16xf32>,
    %swap3A_23 = vector.shape_cast %swap3A_22 : vector<16xf32> to vector<16xf32>
    %swap3A_24 = vector.shape_cast %broadcast_in_dim3A_20 : vector<16xf32> to vector<16xf32>
    tpu.vector_store %arg6[%swap3A_21], %swap3A_24 {strides = array<i32>} : memref<64xf32, #tpu.memory_space<vmem>>, vector<16xf32>,
    %dma_start3A = arith.constant 0 : i32
    %dma_start3A_25 = tpu.memref_slice %arg4[%dma_start3A] : memref<4194304xf32, #tpu.memory_space<hbm>> -> memref<4194304xf32, #tpu.memory_space<hbm>>
    tpu.enqueue_indirect_dma source(%arg6 : memref<64xf32, #tpu.memory_space<vmem>>) target(%dma_start3A_25 : memref<4194304xf32, #tpu.memory_space<hbm>>) offsets(%arg5 : memref<64xi32, #tpu.memory_space<vmem>>) semaphore(%arg7 : memref<!tpu.dma_semaphore, #tpu.memory_space<semaphore_mem>>)
    %dma_wait3A = arith.constant 0 : i32
    %dma_wait3A_26 = tpu.memref_slice %arg4[%dma_wait3A] : memref<4194304xf32, #tpu.memory_space<hbm>> -> memref<4194304xf32, #tpu.memory_space<hbm>>
    tpu.wait_indirect_dma semaphore(%arg7 : memref<!tpu.dma_semaphore, #tpu.memory_space<semaphore_mem>>) src(%arg6 : memref<64xf32, #tpu.memory_space<vmem>>) dst(%dma_wait3A_26 : memref<4194304xf32, #tpu.memory_space<hbm>>)
    return
  }
}

module attributes {stable_mosaic.version = 14 : i64} {
  func.func @_tc_body(%arg0: memref<128x256x128xf32, #tpu.memory_space<vmem>>, %arg1: memref<128x16xi32, #tpu.memory_space<vmem>>) attributes {dimension_semantics = [], scalar_prefetch = 0 : i64, scratch_operands = 0 : i64, tpu.core_type = #tpu.core_type<tc>} {
    %get3A = arith.constant 0 : index
    %get3A_0 = arith.constant 0 : index
    %get3A_1 = arith.constant 0 : index
    %get3A_2 = vector.load %arg0[%get3A, %get3A_0, %get3A_1] : memref<128x256x128xf32, #tpu.memory_space<vmem>>, vector<128x256x128xf32>
    %reduce_max3A = arith.constant dense<0xFF800000> : vector<128x256xf32>
    %reduce_max3A_3 = vector.multi_reduction <maximumf>, %get3A_2, %reduce_max3A [2] : vector<128x256x128xf32> to vector<128x256xf32>
    %iota3A = tpu.iota {dimensions = array<i32: 1>} : vector<128x256xi32>
    %reduce_max3A_4 = arith.constant dense<0xFF800000> : vector<128xf32>
    %reduce_max3A_5 = vector.multi_reduction <maximumf>, %reduce_max3A_3, %reduce_max3A_4 [1] : vector<128x256xf32> to vector<128xf32>
    %broadcast_in_dim3A = vector.shape_cast %reduce_max3A_5 : vector<128xf32> to vector<128x1xf32>
    %eq3A = vector.broadcast %broadcast_in_dim3A : vector<128x1xf32> to vector<128x256xf32>
    %eq3A_6 = arith.cmpf oeq, %reduce_max3A_3, %eq3A : vector<128x256xf32>
    %jit3A = arith.constant 256 : i32
    %broadcast_in_dim3A_7 = vector.broadcast %jit3A : i32 to vector<128x256xi32>
    %select_n3A = arith.select %eq3A_6, %iota3A, %broadcast_in_dim3A_7 : vector<128x256xi1>, vector<128x256xi32>
    %reduce_min3A = arith.constant dense<2147483647> : vector<128xi32>
    %reduce_min3A_8 = vector.multi_reduction <minsi>, %select_n3A, %reduce_min3A [1] : vector<128x256xi32> to vector<128xi32>
    %broadcast_in_dim3A_9 = vector.shape_cast %reduce_min3A_8 : vector<128xi32> to vector<128x1xi32>
    %eq3A_10 = vector.broadcast %broadcast_in_dim3A_9 : vector<128x1xi32> to vector<128x256xi32>
    %eq3A_11 = arith.cmpi eq, %iota3A, %eq3A_10 : vector<128x256xi32>
    %jit3A_12 = arith.constant 0xFF800000 : f32
    %broadcast_in_dim3A_13 = vector.broadcast %jit3A_12 : f32 to vector<128x256xf32>
    %select_n3A_14 = arith.select %eq3A_11, %broadcast_in_dim3A_13, %reduce_max3A_3 : vector<128x256xi1>, vector<128x256xf32>
    %reduce_max3A_15 = arith.constant dense<0xFF800000> : vector<128xf32>
    %reduce_max3A_16 = vector.multi_reduction <maximumf>, %select_n3A_14, %reduce_max3A_15 [1] : vector<128x256xf32> to vector<128xf32>
    %broadcast_in_dim3A_17 = vector.shape_cast %reduce_max3A_16 : vector<128xf32> to vector<128x1xf32>
    %eq3A_18 = vector.broadcast %broadcast_in_dim3A_17 : vector<128x1xf32> to vector<128x256xf32>
    %eq3A_19 = arith.cmpf oeq, %select_n3A_14, %eq3A_18 : vector<128x256xf32>
    %jit3A_20 = arith.constant 256 : i32
    %broadcast_in_dim3A_21 = vector.broadcast %jit3A_20 : i32 to vector<128x256xi32>
    %select_n3A_22 = arith.select %eq3A_19, %iota3A, %broadcast_in_dim3A_21 : vector<128x256xi1>, vector<128x256xi32>
    %reduce_min3A_23 = arith.constant dense<2147483647> : vector<128xi32>
    %reduce_min3A_24 = vector.multi_reduction <minsi>, %select_n3A_22, %reduce_min3A_23 [1] : vector<128x256xi32> to vector<128xi32>
    %broadcast_in_dim3A_25 = vector.shape_cast %reduce_min3A_24 : vector<128xi32> to vector<128x1xi32>
    %eq3A_26 = vector.broadcast %broadcast_in_dim3A_25 : vector<128x1xi32> to vector<128x256xi32>
    %eq3A_27 = arith.cmpi eq, %iota3A, %eq3A_26 : vector<128x256xi32>
    %jit3A_28 = arith.constant 0xFF800000 : f32
    %broadcast_in_dim3A_29 = vector.broadcast %jit3A_28 : f32 to vector<128x256xf32>
    %select_n3A_30 = arith.select %eq3A_27, %broadcast_in_dim3A_29, %select_n3A_14 : vector<128x256xi1>, vector<128x256xf32>
    %reduce_max3A_31 = arith.constant dense<0xFF800000> : vector<128xf32>
    %reduce_max3A_32 = vector.multi_reduction <maximumf>, %select_n3A_30, %reduce_max3A_31 [1] : vector<128x256xf32> to vector<128xf32>
    %broadcast_in_dim3A_33 = vector.shape_cast %reduce_max3A_32 : vector<128xf32> to vector<128x1xf32>
    %eq3A_34 = vector.broadcast %broadcast_in_dim3A_33 : vector<128x1xf32> to vector<128x256xf32>
    %eq3A_35 = arith.cmpf oeq, %select_n3A_30, %eq3A_34 : vector<128x256xf32>
    %jit3A_36 = arith.constant 256 : i32
    %broadcast_in_dim3A_37 = vector.broadcast %jit3A_36 : i32 to vector<128x256xi32>
    %select_n3A_38 = arith.select %eq3A_35, %iota3A, %broadcast_in_dim3A_37 : vector<128x256xi1>, vector<128x256xi32>
    %reduce_min3A_39 = arith.constant dense<2147483647> : vector<128xi32>
    %reduce_min3A_40 = vector.multi_reduction <minsi>, %select_n3A_38, %reduce_min3A_39 [1] : vector<128x256xi32> to vector<128xi32>
    %broadcast_in_dim3A_41 = vector.shape_cast %reduce_min3A_40 : vector<128xi32> to vector<128x1xi32>
    %eq3A_42 = vector.broadcast %broadcast_in_dim3A_41 : vector<128x1xi32> to vector<128x256xi32>
    %eq3A_43 = arith.cmpi eq, %iota3A, %eq3A_42 : vector<128x256xi32>
    %jit3A_44 = arith.constant 0xFF800000 : f32
    %broadcast_in_dim3A_45 = vector.broadcast %jit3A_44 : f32 to vector<128x256xf32>
    %select_n3A_46 = arith.select %eq3A_43, %broadcast_in_dim3A_45, %select_n3A_30 : vector<128x256xi1>, vector<128x256xf32>
    %reduce_max3A_47 = arith.constant dense<0xFF800000> : vector<128xf32>
    %reduce_max3A_48 = vector.multi_reduction <maximumf>, %select_n3A_46, %reduce_max3A_47 [1] : vector<128x256xf32> to vector<128xf32>
    %broadcast_in_dim3A_49 = vector.shape_cast %reduce_max3A_48 : vector<128xf32> to vector<128x1xf32>
    %eq3A_50 = vector.broadcast %broadcast_in_dim3A_49 : vector<128x1xf32> to vector<128x256xf32>
    %eq3A_51 = arith.cmpf oeq, %select_n3A_46, %eq3A_50 : vector<128x256xf32>
    %jit3A_52 = arith.constant 256 : i32
    %broadcast_in_dim3A_53 = vector.broadcast %jit3A_52 : i32 to vector<128x256xi32>
    %select_n3A_54 = arith.select %eq3A_51, %iota3A, %broadcast_in_dim3A_53 : vector<128x256xi1>, vector<128x256xi32>
    %reduce_min3A_55 = arith.constant dense<2147483647> : vector<128xi32>
    %reduce_min3A_56 = vector.multi_reduction <minsi>, %select_n3A_54, %reduce_min3A_55 [1] : vector<128x256xi32> to vector<128xi32>
    %broadcast_in_dim3A_57 = vector.shape_cast %reduce_min3A_56 : vector<128xi32> to vector<128x1xi32>
    %eq3A_58 = vector.broadcast %broadcast_in_dim3A_57 : vector<128x1xi32> to vector<128x256xi32>
    %eq3A_59 = arith.cmpi eq, %iota3A, %eq3A_58 : vector<128x256xi32>
    %jit3A_60 = arith.constant 0xFF800000 : f32
    %broadcast_in_dim3A_61 = vector.broadcast %jit3A_60 : f32 to vector<128x256xf32>
    %select_n3A_62 = arith.select %eq3A_59, %broadcast_in_dim3A_61, %select_n3A_46 : vector<128x256xi1>, vector<128x256xf32>
    %reduce_max3A_63 = arith.constant dense<0xFF800000> : vector<128xf32>
    %reduce_max3A_64 = vector.multi_reduction <maximumf>, %select_n3A_62, %reduce_max3A_63 [1] : vector<128x256xf32> to vector<128xf32>
    %broadcast_in_dim3A_65 = vector.shape_cast %reduce_max3A_64 : vector<128xf32> to vector<128x1xf32>
    %eq3A_66 = vector.broadcast %broadcast_in_dim3A_65 : vector<128x1xf32> to vector<128x256xf32>
    %eq3A_67 = arith.cmpf oeq, %select_n3A_62, %eq3A_66 : vector<128x256xf32>
    %jit3A_68 = arith.constant 256 : i32
    %broadcast_in_dim3A_69 = vector.broadcast %jit3A_68 : i32 to vector<128x256xi32>
    %select_n3A_70 = arith.select %eq3A_67, %iota3A, %broadcast_in_dim3A_69 : vector<128x256xi1>, vector<128x256xi32>
    %reduce_min3A_71 = arith.constant dense<2147483647> : vector<128xi32>
    %reduce_min3A_72 = vector.multi_reduction <minsi>, %select_n3A_70, %reduce_min3A_71 [1] : vector<128x256xi32> to vector<128xi32>
    %broadcast_in_dim3A_73 = vector.shape_cast %reduce_min3A_72 : vector<128xi32> to vector<128x1xi32>
    %eq3A_74 = vector.broadcast %broadcast_in_dim3A_73 : vector<128x1xi32> to vector<128x256xi32>
    %eq3A_75 = arith.cmpi eq, %iota3A, %eq3A_74 : vector<128x256xi32>
    %jit3A_76 = arith.constant 0xFF800000 : f32
    %broadcast_in_dim3A_77 = vector.broadcast %jit3A_76 : f32 to vector<128x256xf32>
    %select_n3A_78 = arith.select %eq3A_75, %broadcast_in_dim3A_77, %select_n3A_62 : vector<128x256xi1>, vector<128x256xf32>
    %reduce_max3A_79 = arith.constant dense<0xFF800000> : vector<128xf32>
    %reduce_max3A_80 = vector.multi_reduction <maximumf>, %select_n3A_78, %reduce_max3A_79 [1] : vector<128x256xf32> to vector<128xf32>
    %broadcast_in_dim3A_81 = vector.shape_cast %reduce_max3A_80 : vector<128xf32> to vector<128x1xf32>
    %eq3A_82 = vector.broadcast %broadcast_in_dim3A_81 : vector<128x1xf32> to vector<128x256xf32>
    %eq3A_83 = arith.cmpf oeq, %select_n3A_78, %eq3A_82 : vector<128x256xf32>
    %jit3A_84 = arith.constant 256 : i32
    %broadcast_in_dim3A_85 = vector.broadcast %jit3A_84 : i32 to vector<128x256xi32>
    %select_n3A_86 = arith.select %eq3A_83, %iota3A, %broadcast_in_dim3A_85 : vector<128x256xi1>, vector<128x256xi32>
    %reduce_min3A_87 = arith.constant dense<2147483647> : vector<128xi32>
    %reduce_min3A_88 = vector.multi_reduction <minsi>, %select_n3A_86, %reduce_min3A_87 [1] : vector<128x256xi32> to vector<128xi32>
    %broadcast_in_dim3A_89 = vector.shape_cast %reduce_min3A_88 : vector<128xi32> to vector<128x1xi32>
    %eq3A_90 = vector.broadcast %broadcast_in_dim3A_89 : vector<128x1xi32> to vector<128x256xi32>
    %eq3A_91 = arith.cmpi eq, %iota3A, %eq3A_90 : vector<128x256xi32>
    %jit3A_92 = arith.constant 0xFF800000 : f32
    %broadcast_in_dim3A_93 = vector.broadcast %jit3A_92 : f32 to vector<128x256xf32>
    %select_n3A_94 = arith.select %eq3A_91, %broadcast_in_dim3A_93, %select_n3A_78 : vector<128x256xi1>, vector<128x256xf32>
    %reduce_max3A_95 = arith.constant dense<0xFF800000> : vector<128xf32>
    %reduce_max3A_96 = vector.multi_reduction <maximumf>, %select_n3A_94, %reduce_max3A_95 [1] : vector<128x256xf32> to vector<128xf32>
    %broadcast_in_dim3A_97 = vector.shape_cast %reduce_max3A_96 : vector<128xf32> to vector<128x1xf32>
    %eq3A_98 = vector.broadcast %broadcast_in_dim3A_97 : vector<128x1xf32> to vector<128x256xf32>
    %eq3A_99 = arith.cmpf oeq, %select_n3A_94, %eq3A_98 : vector<128x256xf32>
    %jit3A_100 = arith.constant 256 : i32
    %broadcast_in_dim3A_101 = vector.broadcast %jit3A_100 : i32 to vector<128x256xi32>
    %select_n3A_102 = arith.select %eq3A_99, %iota3A, %broadcast_in_dim3A_101 : vector<128x256xi1>, vector<128x256xi32>
    %reduce_min3A_103 = arith.constant dense<2147483647> : vector<128xi32>
    %reduce_min3A_104 = vector.multi_reduction <minsi>, %select_n3A_102, %reduce_min3A_103 [1] : vector<128x256xi32> to vector<128xi32>
    %broadcast_in_dim3A_105 = vector.shape_cast %reduce_min3A_104 : vector<128xi32> to vector<128x1xi32>
    %eq3A_106 = vector.broadcast %broadcast_in_dim3A_105 : vector<128x1xi32> to vector<128x256xi32>
    %eq3A_107 = arith.cmpi eq, %iota3A, %eq3A_106 : vector<128x256xi32>
    %jit3A_108 = arith.constant 0xFF800000 : f32
    %broadcast_in_dim3A_109 = vector.broadcast %jit3A_108 : f32 to vector<128x256xf32>
    %select_n3A_110 = arith.select %eq3A_107, %broadcast_in_dim3A_109, %select_n3A_94 : vector<128x256xi1>, vector<128x256xf32>
    %reduce_max3A_111 = arith.constant dense<0xFF800000> : vector<128xf32>
    %reduce_max3A_112 = vector.multi_reduction <maximumf>, %select_n3A_110, %reduce_max3A_111 [1] : vector<128x256xf32> to vector<128xf32>
    %broadcast_in_dim3A_113 = vector.shape_cast %reduce_max3A_112 : vector<128xf32> to vector<128x1xf32>
    %eq3A_114 = vector.broadcast %broadcast_in_dim3A_113 : vector<128x1xf32> to vector<128x256xf32>
    %eq3A_115 = arith.cmpf oeq, %select_n3A_110, %eq3A_114 : vector<128x256xf32>
    %jit3A_116 = arith.constant 256 : i32
    %broadcast_in_dim3A_117 = vector.broadcast %jit3A_116 : i32 to vector<128x256xi32>
    %select_n3A_118 = arith.select %eq3A_115, %iota3A, %broadcast_in_dim3A_117 : vector<128x256xi1>, vector<128x256xi32>
    %reduce_min3A_119 = arith.constant dense<2147483647> : vector<128xi32>
    %reduce_min3A_120 = vector.multi_reduction <minsi>, %select_n3A_118, %reduce_min3A_119 [1] : vector<128x256xi32> to vector<128xi32>
    %broadcast_in_dim3A_121 = vector.shape_cast %reduce_min3A_120 : vector<128xi32> to vector<128x1xi32>
    %eq3A_122 = vector.broadcast %broadcast_in_dim3A_121 : vector<128x1xi32> to vector<128x256xi32>
    %eq3A_123 = arith.cmpi eq, %iota3A, %eq3A_122 : vector<128x256xi32>
    %jit3A_124 = arith.constant 0xFF800000 : f32
    %broadcast_in_dim3A_125 = vector.broadcast %jit3A_124 : f32 to vector<128x256xf32>
    %select_n3A_126 = arith.select %eq3A_123, %broadcast_in_dim3A_125, %select_n3A_110 : vector<128x256xi1>, vector<128x256xf32>
    %reduce_max3A_127 = arith.constant dense<0xFF800000> : vector<128xf32>
    %reduce_max3A_128 = vector.multi_reduction <maximumf>, %select_n3A_126, %reduce_max3A_127 [1] : vector<128x256xf32> to vector<128xf32>
    %broadcast_in_dim3A_129 = vector.shape_cast %reduce_max3A_128 : vector<128xf32> to vector<128x1xf32>
    %eq3A_130 = vector.broadcast %broadcast_in_dim3A_129 : vector<128x1xf32> to vector<128x256xf32>
    %eq3A_131 = arith.cmpf oeq, %select_n3A_126, %eq3A_130 : vector<128x256xf32>
    %jit3A_132 = arith.constant 256 : i32
    %broadcast_in_dim3A_133 = vector.broadcast %jit3A_132 : i32 to vector<128x256xi32>
    %select_n3A_134 = arith.select %eq3A_131, %iota3A, %broadcast_in_dim3A_133 : vector<128x256xi1>, vector<128x256xi32>
    %reduce_min3A_135 = arith.constant dense<2147483647> : vector<128xi32>
    %reduce_min3A_136 = vector.multi_reduction <minsi>, %select_n3A_134, %reduce_min3A_135 [1] : vector<128x256xi32> to vector<128xi32>
    %broadcast_in_dim3A_137 = vector.shape_cast %reduce_min3A_136 : vector<128xi32> to vector<128x1xi32>
    %eq3A_138 = vector.broadcast %broadcast_in_dim3A_137 : vector<128x1xi32> to vector<128x256xi32>
    %eq3A_139 = arith.cmpi eq, %iota3A, %eq3A_138 : vector<128x256xi32>
    %jit3A_140 = arith.constant 0xFF800000 : f32
    %broadcast_in_dim3A_141 = vector.broadcast %jit3A_140 : f32 to vector<128x256xf32>
    %select_n3A_142 = arith.select %eq3A_139, %broadcast_in_dim3A_141, %select_n3A_126 : vector<128x256xi1>, vector<128x256xf32>
    %reduce_max3A_143 = arith.constant dense<0xFF800000> : vector<128xf32>
    %reduce_max3A_144 = vector.multi_reduction <maximumf>, %select_n3A_142, %reduce_max3A_143 [1] : vector<128x256xf32> to vector<128xf32>
    %broadcast_in_dim3A_145 = vector.shape_cast %reduce_max3A_144 : vector<128xf32> to vector<128x1xf32>
    %eq3A_146 = vector.broadcast %broadcast_in_dim3A_145 : vector<128x1xf32> to vector<128x256xf32>
    %eq3A_147 = arith.cmpf oeq, %select_n3A_142, %eq3A_146 : vector<128x256xf32>
    %jit3A_148 = arith.constant 256 : i32
    %broadcast_in_dim3A_149 = vector.broadcast %jit3A_148 : i32 to vector<128x256xi32>
    %select_n3A_150 = arith.select %eq3A_147, %iota3A, %broadcast_in_dim3A_149 : vector<128x256xi1>, vector<128x256xi32>
    %reduce_min3A_151 = arith.constant dense<2147483647> : vector<128xi32>
    %reduce_min3A_152 = vector.multi_reduction <minsi>, %select_n3A_150, %reduce_min3A_151 [1] : vector<128x256xi32> to vector<128xi32>
    %broadcast_in_dim3A_153 = vector.shape_cast %reduce_min3A_152 : vector<128xi32> to vector<128x1xi32>
    %concatenate3A = tpu.concatenate %broadcast_in_dim3A_9, %broadcast_in_dim3A_25, %broadcast_in_dim3A_41, %broadcast_in_dim3A_57, %broadcast_in_dim3A_73, %broadcast_in_dim3A_89, %broadcast_in_dim3A_105, %broadcast_in_dim3A_121, %broadcast_in_dim3A_137, %broadcast_in_dim3A_153 in 1 : vector<128x1xi32>, vector<128x1xi32>, vector<128x1xi32>, vector<128x1xi32>, vector<128x1xi32>, vector<128x1xi32>, vector<128x1xi32>, vector<128x1xi32>, vector<128x1xi32>, vector<128x1xi32> -> vector<128x10xi32>
    %iota3A_154 = tpu.iota {dimensions = array<i32: 2>} : vector<128x10x256xi32>
    %reshape3A = vector.shape_cast %concatenate3A : vector<128x10xi32> to vector<128x10x1xi32>
    %eq3A_155 = vector.broadcast %reshape3A : vector<128x10x1xi32> to vector<128x10x256xi32>
    %eq3A_156 = arith.cmpi eq, %iota3A_154, %eq3A_155 : vector<128x10x256xi32>
    %convert_element_type3A = arith.extui %eq3A_156 : vector<128x10x256xi1> to vector<128x10x256xi32>
    %convert_element_type3A_157 = arith.sitofp %convert_element_type3A : vector<128x10x256xi32> to vector<128x10x256xf32>
    %dot_general3A = arith.constant dense<0.000000e+00> : vector<128x10x128xf32>
    %dot_general3A_158 = tpu.matmul %convert_element_type3A_157, %get3A_2, %dot_general3A {dimension_numbers = #tpu.dot_dimension_numbers<[2], [1], [1], [2], [0, 0, 0, 1, 1, 2], [0], [0]>, precision = #tpu.contract_precision<fp32>, transpose_lhs_hint = false} : vector<128x10x256xf32>, vector<128x256x128xf32>, vector<128x10x128xf32> -> vector<128x10x128xf32>
    %reshape3A_159 = vector.shape_cast %dot_general3A_158 : vector<128x10x128xf32> to vector<128x1280xf32>
    %iota3A_160 = tpu.iota {dimensions = array<i32: 2>} : vector<128x10x128xi32>
    %reshape3A_161 = vector.shape_cast %concatenate3A : vector<128x10xi32> to vector<128x10x1xi32>
    %mul3A = arith.constant 128 : i32
    %mul3A_162 = vector.broadcast %mul3A : i32 to vector<128x10x1xi32>
    %mul3A_163 = arith.muli %reshape3A_161, %mul3A_162 : vector<128x10x1xi32>
    %add3A = vector.broadcast %mul3A_163 : vector<128x10x1xi32> to vector<128x10x128xi32>
    %add3A_164 = arith.addi %add3A, %iota3A_160 : vector<128x10x128xi32>
    %reshape3A_165 = vector.shape_cast %add3A_164 : vector<128x10x128xi32> to vector<128x1280xi32>
    %reduce_max3A_166 = arith.constant dense<0xFF800000> : vector<128xf32>
    %reduce_max3A_167 = vector.multi_reduction <maximumf>, %reshape3A_159, %reduce_max3A_166 [1] : vector<128x1280xf32> to vector<128xf32>
    %broadcast_in_dim3A_168 = vector.shape_cast %reduce_max3A_167 : vector<128xf32> to vector<128x1xf32>
    %eq3A_169 = vector.broadcast %broadcast_in_dim3A_168 : vector<128x1xf32> to vector<128x1280xf32>
    %eq3A_170 = arith.cmpf oeq, %reshape3A_159, %eq3A_169 : vector<128x1280xf32>
    %jit3A_171 = arith.constant 32768 : i32
    %broadcast_in_dim3A_172 = vector.broadcast %jit3A_171 : i32 to vector<128x1280xi32>
    %select_n3A_173 = arith.select %eq3A_170, %reshape3A_165, %broadcast_in_dim3A_172 : vector<128x1280xi1>, vector<128x1280xi32>
    %reduce_min3A_174 = arith.constant dense<2147483647> : vector<128xi32>
    %reduce_min3A_175 = vector.multi_reduction <minsi>, %select_n3A_173, %reduce_min3A_174 [1] : vector<128x1280xi32> to vector<128xi32>
    %broadcast_in_dim3A_176 = vector.shape_cast %reduce_min3A_175 : vector<128xi32> to vector<128x1xi32>
    %eq3A_177 = vector.broadcast %broadcast_in_dim3A_176 : vector<128x1xi32> to vector<128x1280xi32>
    %eq3A_178 = arith.cmpi eq, %reshape3A_165, %eq3A_177 : vector<128x1280xi32>
    %jit3A_179 = arith.constant 0xFF800000 : f32
    %broadcast_in_dim3A_180 = vector.broadcast %jit3A_179 : f32 to vector<128x1280xf32>
    %select_n3A_181 = arith.select %eq3A_178, %broadcast_in_dim3A_180, %reshape3A_159 : vector<128x1280xi1>, vector<128x1280xf32>
    %reduce_max3A_182 = arith.constant dense<0xFF800000> : vector<128xf32>
    %reduce_max3A_183 = vector.multi_reduction <maximumf>, %select_n3A_181, %reduce_max3A_182 [1] : vector<128x1280xf32> to vector<128xf32>
    %broadcast_in_dim3A_184 = vector.shape_cast %reduce_max3A_183 : vector<128xf32> to vector<128x1xf32>
    %eq3A_185 = vector.broadcast %broadcast_in_dim3A_184 : vector<128x1xf32> to vector<128x1280xf32>
    %eq3A_186 = arith.cmpf oeq, %select_n3A_181, %eq3A_185 : vector<128x1280xf32>
    %jit3A_187 = arith.constant 32768 : i32
    %broadcast_in_dim3A_188 = vector.broadcast %jit3A_187 : i32 to vector<128x1280xi32>
    %select_n3A_189 = arith.select %eq3A_186, %reshape3A_165, %broadcast_in_dim3A_188 : vector<128x1280xi1>, vector<128x1280xi32>
    %reduce_min3A_190 = arith.constant dense<2147483647> : vector<128xi32>
    %reduce_min3A_191 = vector.multi_reduction <minsi>, %select_n3A_189, %reduce_min3A_190 [1] : vector<128x1280xi32> to vector<128xi32>
    %broadcast_in_dim3A_192 = vector.shape_cast %reduce_min3A_191 : vector<128xi32> to vector<128x1xi32>
    %eq3A_193 = vector.broadcast %broadcast_in_dim3A_192 : vector<128x1xi32> to vector<128x1280xi32>
    %eq3A_194 = arith.cmpi eq, %reshape3A_165, %eq3A_193 : vector<128x1280xi32>
    %jit3A_195 = arith.constant 0xFF800000 : f32
    %broadcast_in_dim3A_196 = vector.broadcast %jit3A_195 : f32 to vector<128x1280xf32>
    %select_n3A_197 = arith.select %eq3A_194, %broadcast_in_dim3A_196, %select_n3A_181 : vector<128x1280xi1>, vector<128x1280xf32>
    %reduce_max3A_198 = arith.constant dense<0xFF800000> : vector<128xf32>
    %reduce_max3A_199 = vector.multi_reduction <maximumf>, %select_n3A_197, %reduce_max3A_198 [1] : vector<128x1280xf32> to vector<128xf32>
    %broadcast_in_dim3A_200 = vector.shape_cast %reduce_max3A_199 : vector<128xf32> to vector<128x1xf32>
    %eq3A_201 = vector.broadcast %broadcast_in_dim3A_200 : vector<128x1xf32> to vector<128x1280xf32>
    %eq3A_202 = arith.cmpf oeq, %select_n3A_197, %eq3A_201 : vector<128x1280xf32>
    %jit3A_203 = arith.constant 32768 : i32
    %broadcast_in_dim3A_204 = vector.broadcast %jit3A_203 : i32 to vector<128x1280xi32>
    %select_n3A_205 = arith.select %eq3A_202, %reshape3A_165, %broadcast_in_dim3A_204 : vector<128x1280xi1>, vector<128x1280xi32>
    %reduce_min3A_206 = arith.constant dense<2147483647> : vector<128xi32>
    %reduce_min3A_207 = vector.multi_reduction <minsi>, %select_n3A_205, %reduce_min3A_206 [1] : vector<128x1280xi32> to vector<128xi32>
    %broadcast_in_dim3A_208 = vector.shape_cast %reduce_min3A_207 : vector<128xi32> to vector<128x1xi32>
    %eq3A_209 = vector.broadcast %broadcast_in_dim3A_208 : vector<128x1xi32> to vector<128x1280xi32>
    %eq3A_210 = arith.cmpi eq, %reshape3A_165, %eq3A_209 : vector<128x1280xi32>
    %jit3A_211 = arith.constant 0xFF800000 : f32
    %broadcast_in_dim3A_212 = vector.broadcast %jit3A_211 : f32 to vector<128x1280xf32>
    %select_n3A_213 = arith.select %eq3A_210, %broadcast_in_dim3A_212, %select_n3A_197 : vector<128x1280xi1>, vector<128x1280xf32>
    %reduce_max3A_214 = arith.constant dense<0xFF800000> : vector<128xf32>
    %reduce_max3A_215 = vector.multi_reduction <maximumf>, %select_n3A_213, %reduce_max3A_214 [1] : vector<128x1280xf32> to vector<128xf32>
    %broadcast_in_dim3A_216 = vector.shape_cast %reduce_max3A_215 : vector<128xf32> to vector<128x1xf32>
    %eq3A_217 = vector.broadcast %broadcast_in_dim3A_216 : vector<128x1xf32> to vector<128x1280xf32>
    %eq3A_218 = arith.cmpf oeq, %select_n3A_213, %eq3A_217 : vector<128x1280xf32>
    %jit3A_219 = arith.constant 32768 : i32
    %broadcast_in_dim3A_220 = vector.broadcast %jit3A_219 : i32 to vector<128x1280xi32>
    %select_n3A_221 = arith.select %eq3A_218, %reshape3A_165, %broadcast_in_dim3A_220 : vector<128x1280xi1>, vector<128x1280xi32>
    %reduce_min3A_222 = arith.constant dense<2147483647> : vector<128xi32>
    %reduce_min3A_223 = vector.multi_reduction <minsi>, %select_n3A_221, %reduce_min3A_222 [1] : vector<128x1280xi32> to vector<128xi32>
    %broadcast_in_dim3A_224 = vector.shape_cast %reduce_min3A_223 : vector<128xi32> to vector<128x1xi32>
    %eq3A_225 = vector.broadcast %broadcast_in_dim3A_224 : vector<128x1xi32> to vector<128x1280xi32>
    %eq3A_226 = arith.cmpi eq, %reshape3A_165, %eq3A_225 : vector<128x1280xi32>
    %jit3A_227 = arith.constant 0xFF800000 : f32
    %broadcast_in_dim3A_228 = vector.broadcast %jit3A_227 : f32 to vector<128x1280xf32>
    %select_n3A_229 = arith.select %eq3A_226, %broadcast_in_dim3A_228, %select_n3A_213 : vector<128x1280xi1>, vector<128x1280xf32>
    %reduce_max3A_230 = arith.constant dense<0xFF800000> : vector<128xf32>
    %reduce_max3A_231 = vector.multi_reduction <maximumf>, %select_n3A_229, %reduce_max3A_230 [1] : vector<128x1280xf32> to vector<128xf32>
    %broadcast_in_dim3A_232 = vector.shape_cast %reduce_max3A_231 : vector<128xf32> to vector<128x1xf32>
    %eq3A_233 = vector.broadcast %broadcast_in_dim3A_232 : vector<128x1xf32> to vector<128x1280xf32>
    %eq3A_234 = arith.cmpf oeq, %select_n3A_229, %eq3A_233 : vector<128x1280xf32>
    %jit3A_235 = arith.constant 32768 : i32
    %broadcast_in_dim3A_236 = vector.broadcast %jit3A_235 : i32 to vector<128x1280xi32>
    %select_n3A_237 = arith.select %eq3A_234, %reshape3A_165, %broadcast_in_dim3A_236 : vector<128x1280xi1>, vector<128x1280xi32>
    %reduce_min3A_238 = arith.constant dense<2147483647> : vector<128xi32>
    %reduce_min3A_239 = vector.multi_reduction <minsi>, %select_n3A_237, %reduce_min3A_238 [1] : vector<128x1280xi32> to vector<128xi32>
    %broadcast_in_dim3A_240 = vector.shape_cast %reduce_min3A_239 : vector<128xi32> to vector<128x1xi32>
    %eq3A_241 = vector.broadcast %broadcast_in_dim3A_240 : vector<128x1xi32> to vector<128x1280xi32>
    %eq3A_242 = arith.cmpi eq, %reshape3A_165, %eq3A_241 : vector<128x1280xi32>
    %jit3A_243 = arith.constant 0xFF800000 : f32
    %broadcast_in_dim3A_244 = vector.broadcast %jit3A_243 : f32 to vector<128x1280xf32>
    %select_n3A_245 = arith.select %eq3A_242, %broadcast_in_dim3A_244, %select_n3A_229 : vector<128x1280xi1>, vector<128x1280xf32>
    %reduce_max3A_246 = arith.constant dense<0xFF800000> : vector<128xf32>
    %reduce_max3A_247 = vector.multi_reduction <maximumf>, %select_n3A_245, %reduce_max3A_246 [1] : vector<128x1280xf32> to vector<128xf32>
    %broadcast_in_dim3A_248 = vector.shape_cast %reduce_max3A_247 : vector<128xf32> to vector<128x1xf32>
    %eq3A_249 = vector.broadcast %broadcast_in_dim3A_248 : vector<128x1xf32> to vector<128x1280xf32>
    %eq3A_250 = arith.cmpf oeq, %select_n3A_245, %eq3A_249 : vector<128x1280xf32>
    %jit3A_251 = arith.constant 32768 : i32
    %broadcast_in_dim3A_252 = vector.broadcast %jit3A_251 : i32 to vector<128x1280xi32>
    %select_n3A_253 = arith.select %eq3A_250, %reshape3A_165, %broadcast_in_dim3A_252 : vector<128x1280xi1>, vector<128x1280xi32>
    %reduce_min3A_254 = arith.constant dense<2147483647> : vector<128xi32>
    %reduce_min3A_255 = vector.multi_reduction <minsi>, %select_n3A_253, %reduce_min3A_254 [1] : vector<128x1280xi32> to vector<128xi32>
    %broadcast_in_dim3A_256 = vector.shape_cast %reduce_min3A_255 : vector<128xi32> to vector<128x1xi32>
    %eq3A_257 = vector.broadcast %broadcast_in_dim3A_256 : vector<128x1xi32> to vector<128x1280xi32>
    %eq3A_258 = arith.cmpi eq, %reshape3A_165, %eq3A_257 : vector<128x1280xi32>
    %jit3A_259 = arith.constant 0xFF800000 : f32
    %broadcast_in_dim3A_260 = vector.broadcast %jit3A_259 : f32 to vector<128x1280xf32>
    %select_n3A_261 = arith.select %eq3A_258, %broadcast_in_dim3A_260, %select_n3A_245 : vector<128x1280xi1>, vector<128x1280xf32>
    %reduce_max3A_262 = arith.constant dense<0xFF800000> : vector<128xf32>
    %reduce_max3A_263 = vector.multi_reduction <maximumf>, %select_n3A_261, %reduce_max3A_262 [1] : vector<128x1280xf32> to vector<128xf32>
    %broadcast_in_dim3A_264 = vector.shape_cast %reduce_max3A_263 : vector<128xf32> to vector<128x1xf32>
    %eq3A_265 = vector.broadcast %broadcast_in_dim3A_264 : vector<128x1xf32> to vector<128x1280xf32>
    %eq3A_266 = arith.cmpf oeq, %select_n3A_261, %eq3A_265 : vector<128x1280xf32>
    %jit3A_267 = arith.constant 32768 : i32
    %broadcast_in_dim3A_268 = vector.broadcast %jit3A_267 : i32 to vector<128x1280xi32>
    %select_n3A_269 = arith.select %eq3A_266, %reshape3A_165, %broadcast_in_dim3A_268 : vector<128x1280xi1>, vector<128x1280xi32>
    %reduce_min3A_270 = arith.constant dense<2147483647> : vector<128xi32>
    %reduce_min3A_271 = vector.multi_reduction <minsi>, %select_n3A_269, %reduce_min3A_270 [1] : vector<128x1280xi32> to vector<128xi32>
    %broadcast_in_dim3A_272 = vector.shape_cast %reduce_min3A_271 : vector<128xi32> to vector<128x1xi32>
    %eq3A_273 = vector.broadcast %broadcast_in_dim3A_272 : vector<128x1xi32> to vector<128x1280xi32>
    %eq3A_274 = arith.cmpi eq, %reshape3A_165, %eq3A_273 : vector<128x1280xi32>
    %jit3A_275 = arith.constant 0xFF800000 : f32
    %broadcast_in_dim3A_276 = vector.broadcast %jit3A_275 : f32 to vector<128x1280xf32>
    %select_n3A_277 = arith.select %eq3A_274, %broadcast_in_dim3A_276, %select_n3A_261 : vector<128x1280xi1>, vector<128x1280xf32>
    %reduce_max3A_278 = arith.constant dense<0xFF800000> : vector<128xf32>
    %reduce_max3A_279 = vector.multi_reduction <maximumf>, %select_n3A_277, %reduce_max3A_278 [1] : vector<128x1280xf32> to vector<128xf32>
    %broadcast_in_dim3A_280 = vector.shape_cast %reduce_max3A_279 : vector<128xf32> to vector<128x1xf32>
    %eq3A_281 = vector.broadcast %broadcast_in_dim3A_280 : vector<128x1xf32> to vector<128x1280xf32>
    %eq3A_282 = arith.cmpf oeq, %select_n3A_277, %eq3A_281 : vector<128x1280xf32>
    %jit3A_283 = arith.constant 32768 : i32
    %broadcast_in_dim3A_284 = vector.broadcast %jit3A_283 : i32 to vector<128x1280xi32>
    %select_n3A_285 = arith.select %eq3A_282, %reshape3A_165, %broadcast_in_dim3A_284 : vector<128x1280xi1>, vector<128x1280xi32>
    %reduce_min3A_286 = arith.constant dense<2147483647> : vector<128xi32>
    %reduce_min3A_287 = vector.multi_reduction <minsi>, %select_n3A_285, %reduce_min3A_286 [1] : vector<128x1280xi32> to vector<128xi32>
    %broadcast_in_dim3A_288 = vector.shape_cast %reduce_min3A_287 : vector<128xi32> to vector<128x1xi32>
    %eq3A_289 = vector.broadcast %broadcast_in_dim3A_288 : vector<128x1xi32> to vector<128x1280xi32>
    %eq3A_290 = arith.cmpi eq, %reshape3A_165, %eq3A_289 : vector<128x1280xi32>
    %jit3A_291 = arith.constant 0xFF800000 : f32
    %broadcast_in_dim3A_292 = vector.broadcast %jit3A_291 : f32 to vector<128x1280xf32>
    %select_n3A_293 = arith.select %eq3A_290, %broadcast_in_dim3A_292, %select_n3A_277 : vector<128x1280xi1>, vector<128x1280xf32>
    %reduce_max3A_294 = arith.constant dense<0xFF800000> : vector<128xf32>
    %reduce_max3A_295 = vector.multi_reduction <maximumf>, %select_n3A_293, %reduce_max3A_294 [1] : vector<128x1280xf32> to vector<128xf32>
    %broadcast_in_dim3A_296 = vector.shape_cast %reduce_max3A_295 : vector<128xf32> to vector<128x1xf32>
    %eq3A_297 = vector.broadcast %broadcast_in_dim3A_296 : vector<128x1xf32> to vector<128x1280xf32>
    %eq3A_298 = arith.cmpf oeq, %select_n3A_293, %eq3A_297 : vector<128x1280xf32>
    %jit3A_299 = arith.constant 32768 : i32
    %broadcast_in_dim3A_300 = vector.broadcast %jit3A_299 : i32 to vector<128x1280xi32>
    %select_n3A_301 = arith.select %eq3A_298, %reshape3A_165, %broadcast_in_dim3A_300 : vector<128x1280xi1>, vector<128x1280xi32>
    %reduce_min3A_302 = arith.constant dense<2147483647> : vector<128xi32>
    %reduce_min3A_303 = vector.multi_reduction <minsi>, %select_n3A_301, %reduce_min3A_302 [1] : vector<128x1280xi32> to vector<128xi32>
    %broadcast_in_dim3A_304 = vector.shape_cast %reduce_min3A_303 : vector<128xi32> to vector<128x1xi32>
    %eq3A_305 = vector.broadcast %broadcast_in_dim3A_304 : vector<128x1xi32> to vector<128x1280xi32>
    %eq3A_306 = arith.cmpi eq, %reshape3A_165, %eq3A_305 : vector<128x1280xi32>
    %jit3A_307 = arith.constant 0xFF800000 : f32
    %broadcast_in_dim3A_308 = vector.broadcast %jit3A_307 : f32 to vector<128x1280xf32>
    %select_n3A_309 = arith.select %eq3A_306, %broadcast_in_dim3A_308, %select_n3A_293 : vector<128x1280xi1>, vector<128x1280xf32>
    %reduce_max3A_310 = arith.constant dense<0xFF800000> : vector<128xf32>
    %reduce_max3A_311 = vector.multi_reduction <maximumf>, %select_n3A_309, %reduce_max3A_310 [1] : vector<128x1280xf32> to vector<128xf32>
    %broadcast_in_dim3A_312 = vector.shape_cast %reduce_max3A_311 : vector<128xf32> to vector<128x1xf32>
    %eq3A_313 = vector.broadcast %broadcast_in_dim3A_312 : vector<128x1xf32> to vector<128x1280xf32>
    %eq3A_314 = arith.cmpf oeq, %select_n3A_309, %eq3A_313 : vector<128x1280xf32>
    %jit3A_315 = arith.constant 32768 : i32
    %broadcast_in_dim3A_316 = vector.broadcast %jit3A_315 : i32 to vector<128x1280xi32>
    %select_n3A_317 = arith.select %eq3A_314, %reshape3A_165, %broadcast_in_dim3A_316 : vector<128x1280xi1>, vector<128x1280xi32>
    %reduce_min3A_318 = arith.constant dense<2147483647> : vector<128xi32>
    %reduce_min3A_319 = vector.multi_reduction <minsi>, %select_n3A_317, %reduce_min3A_318 [1] : vector<128x1280xi32> to vector<128xi32>
    %broadcast_in_dim3A_320 = vector.shape_cast %reduce_min3A_319 : vector<128xi32> to vector<128x1xi32>
    %concatenate3A_321 = tpu.concatenate %broadcast_in_dim3A_176, %broadcast_in_dim3A_192, %broadcast_in_dim3A_208, %broadcast_in_dim3A_224, %broadcast_in_dim3A_240, %broadcast_in_dim3A_256, %broadcast_in_dim3A_272, %broadcast_in_dim3A_288, %broadcast_in_dim3A_304, %broadcast_in_dim3A_320, %broadcast_in_dim3A_176, %broadcast_in_dim3A_176, %broadcast_in_dim3A_176, %broadcast_in_dim3A_176, %broadcast_in_dim3A_176, %broadcast_in_dim3A_176 in 1 : vector<128x1xi32>, vector<128x1xi32>, vector<128x1xi32>, vector<128x1xi32>, vector<128x1xi32>, vector<128x1xi32>, vector<128x1xi32>, vector<128x1xi32>, vector<128x1xi32>, vector<128x1xi32>, vector<128x1xi32>, vector<128x1xi32>, vector<128x1xi32>, vector<128x1xi32>, vector<128x1xi32>, vector<128x1xi32> -> vector<128x16xi32>
    %iota3A_322 = tpu.iota {dimensions = array<i32: 0>} : vector<128x16xi32>
    %mul3A_323 = arith.constant 32768 : i32
    %mul3A_324 = vector.broadcast %mul3A_323 : i32 to vector<128x16xi32>
    %mul3A_325 = arith.muli %iota3A_322, %mul3A_324 : vector<128x16xi32>
    %add3A_326 = arith.addi %concatenate3A_321, %mul3A_325 : vector<128x16xi32>
    %swap3A = arith.constant 0 : index
    %swap3A_327 = arith.constant 0 : index
    %swap3A_328 = vector.load %arg1[%swap3A, %swap3A_327] : memref<128x16xi32, #tpu.memory_space<vmem>>, vector<128x16xi32>
    tpu.vector_store %arg1[%swap3A, %swap3A_327], %add3A_326 {strides = array<i32>} : memref<128x16xi32, #tpu.memory_space<vmem>>, vector<128x16xi32>,
    return
  }
}

</mosaic_0001>

<sc_bundles>
// kernel: kernel.4.cloned.1.call-start
scs
__scs_entry_jumppad:
0x0: {  	(pc) =	sbr.rel $0x88, $3  }
0x1: {  	(tag) =	ssettag $0x0;
	lr =	simm.s32 $0x1  }
0x2: {  	[smem:$0x3FA0] =	sst lr;
	_ =	strace $0xD0000000  }
0x3: {  	_ = 	snop  }
0x4: {  	_ = 	snop  }
0x5: {  	_ = 	snop  }
0x6: {  	_ = 	snop  }
0x7: {  	_ = 	snop  }
__scs_overlays_trampoline_lowered:
0x8: {  	[smem:$0x3FAF] =	sst s0  }
0x9: {  	[smem:$0x3FB0] =	sst s1  }
0xa: {  	[smem:$0x3FB1] =	sst s2  }
0xb: {  	[smem:$0x3FB2] =	sst s3  }
0xc: {  	[smem:$0x3FB3] =	sst s4  }
0xd: {  	[smem:$0x3FB4] =	sst s5  }
0xe: {  	[smem:$0x3FB5] =	sst s6  }
0xf: {  	[smem:$0x3FB6] =	sst s7  }
0x10: {  	[smem:$0x3FB7] =	sst s8  }
0x11: {  	[smem:$0x3FB8] =	sst s9;
	s0 =	simm.s32 @!p0 $0x0  }
0x12: {  	s1 =	sld [smem:$0x3F9E];
	s0 =	simm.s32 @p0 $0x1  }
0x13: {  	[smem:$0x3FB9] =	sst s0;
	s0 =	simm.s32 @!p1 $0x0  }
0x14: {  	s2 =	sld [smem:$0x3F9D];
	s0 =	simm.s32 @p1 $0x1  }
0x15: {  	[smem:$0x3FBA] =	sst s0;
	s0 =	simm.s32 @!p2 $0x0  }
0x16: {  	s3 =	sld [smem:$0x3FDB];
	s0 =	simm.s32 @p2 $0x1  }
0x17: {  	s4 =	simm.s32 $0x1BF5;
	[smem:$0x3FBC] =	sst s0  }
0x18: {  	s0 =	sld [smem:$0x3F9F];
	_ =	swait.ge [sflag:s4], $0x0  }
0x19: {  	s7 =	sld [smem:$0x3FA0]  }
0x1a: {  	s8 =	sadd.s32 $0xFFFFE003, lr  }
0x1b: {  	s9 =	sadd.s32 $0xFFFFFEF7, lr;
	s5 =	simm.s32 $0xFFFFFFFF;
	p2 =	slt.u32 s8, $0xFFFFF086  }
0x1c: {  	p1 =	slt.u32 s9, $0xF7A;
	s5 =	simm.s32 @!p2 $0x0  }
0x1d: {  	s5 =	simm.s32 @p1 $0x1;
	p0 =	seq.s32 s7, s2  }
0x1e: {  	s7 =	smul.u32 @!p0 $0xF7A, s2;
	p2 =	seq.s32 @!p0 s5, $0x0  }
0x1f: {  	s9 =	smul.u32 $0xF7A, s1;
	s8 =	simm.s32 @!p0 $0x1BF5;
	p2 =	por !p2, p0  }
0x20: {  	[sflag:s8] =	ssyncset.s32 @!p0 $0xFFFFF086;
	s6 =	sadd.s32 @!p0 s3, s7;
	s7 =	simm.s32 @!p0 $0x108  }
0x21: {  	s3 =	sadd.s32 s3, s9;
	s6 =	sadd.s32 @!p0 $0x88, s6;
	s7 =	simm.s32 @p2 $0x1082  }
0x22: {  	[simem:s7], [sflag:s8] =	dma.local @!p0 [hbm:s6], $0xF7A  }
0x23: {  	s9 =	sor.u32 $0xD0000000, s2;
	s6 =	simm.s32 $0x108;
	_ =	swait.ge @!p0 [sflag:s8], $0x0  }
0x24: {  	s3 =	sadd.s32 $0x88, s3;
	s6 =	simm.s32 @!p1 $0x1082;
	[sflag:s4] =	ssyncset.s32 $0xFFFFF086  }
0x25: {  	[simem:s6], [sflag:s4] =	dma.local [hbm:s3], $0xF7A  }
0x26: {  	[smem:$0x3FA0] =	sst s1;
	(tag) =	ssettag s2;
	_ =	strace s9  }
0x27: {  	s1 =	sld [smem:$0x3FB0]  }
0x28: {  	s2 =	sld [smem:$0x3FB1]  }
0x29: {  	s4 =	sld [smem:$0x3FB3]  }
0x2a: {  	p0 =	seq.s32 s5, $0x0;
	s5 =	sld [smem:$0x3FB4]  }
0x2b: {  	s6 =	sld [smem:$0x3FB5]  }
0x2c: {  	s7 =	sld [smem:$0x3FB6]  }
0x2d: {  	s3 =	simm.s32 $0x108;
	s8 =	sld [smem:$0x3FB7]  }
0x2e: {  	s3 =	simm.s32 @!p0 $0x1082;
	s9 =	sld [smem:$0x3FB8]  }
0x2f: {  	lr =	sadd.s32 s0, s3;
	s0 =	sld [smem:$0x3FAF]  }
0x30: {  	s3 =	sld [smem:$0x3FB2]  }
0x31: {  	[smem:$0x3FBB] =	sst s10  }
0x32: {  	s10 =	sld [smem:$0x3FB9];
	_ =	sdelay $0x3  }
0x33: {  	p0 =	seq.s32 s10, $0x1;
	s10 =	sld [smem:$0x3FBB];
	_ =	sdelay $0x3  }
0x34: {  	[smem:$0x3FBB] =	sst s10  }
0x35: {  	s10 =	sld [smem:$0x3FBA];
	_ =	sdelay $0x3  }
0x36: {  	p1 =	seq.s32 s10, $0x1;
	s10 =	sld [smem:$0x3FBB];
	_ =	sdelay $0x3  }
0x37: {  	[smem:$0x3FBB] =	sst s10  }
0x38: {  	s10 =	sld [smem:$0x3FBC]  }
0x39: {  	_ = 	snop;
	(pc) =	sbr.ind lr, $3  }
0x3a: {  	_ = 	snop  }
0x3b: {  	_ = 	snop  }
0x3c: {  	p2 =	seq.s32 s10, $0x1;
	s10 =	sld [smem:$0x3FBB]  }
0x3d: {  	_ =	shalt  }
0x3e: {  	_ =	shalt  }
0x3f: {  	_ =	shalt  }
0x40: {  	_ =	shalt  }
0x41: {  	_ =	shalt  }
0x42: {  	_ =	shalt  }
0x43: {  	_ =	shalt  }
0x44: {  	_ =	shalt  }
0x45: {  	_ =	shalt  }
0x46: {  	_ =	shalt  }
0x47: {  	_ =	shalt  }
0x48: {  	_ =	shalt  }
0x49: {  	_ =	shalt  }
0x4a: {  	_ =	shalt  }
0x4b: {  	_ =	shalt  }
0x4c: {  	_ =	shalt  }
0x4d: {  	_ =	shalt  }
0x4e: {  	_ =	shalt  }
0x4f: {  	_ =	shalt  }
0x50: {  	_ =	shalt  }
0x51: {  	_ =	shalt  }
0x52: {  	_ =	shalt  }
0x53: {  	_ =	shalt  }
0x54: {  	_ =	shalt  }
0x55: {  	_ =	shalt  }
0x56: {  	_ =	shalt  }
0x57: {  	_ =	shalt  }
0x58: {  	_ =	shalt  }
0x59: {  	_ =	shalt  }
0x5a: {  	_ =	shalt  }
0x5b: {  	_ =	shalt  }
0x5c: {  	_ =	shalt  }
0x5d: {  	_ =	shalt  }
0x5e: {  	_ =	shalt  }
0x5f: {  	_ =	shalt  }
0x60: {  	_ =	shalt  }
0x61: {  	_ =	shalt  }
0x62: {  	_ =	shalt  }
0x63: {  	_ =	shalt  }
0x64: {  	_ =	shalt  }
0x65: {  	_ =	shalt  }
0x66: {  	_ =	shalt  }
0x67: {  	_ =	shalt  }
0x68: {  	_ =	shalt  }
0x69: {  	_ =	shalt  }
0x6a: {  	_ =	shalt  }
0x6b: {  	_ =	shalt  }
0x6c: {  	_ =	shalt  }
0x6d: {  	_ =	shalt  }
0x6e: {  	_ =	shalt  }
0x6f: {  	_ =	shalt  }
0x70: {  	_ =	shalt  }
0x71: {  	_ =	shalt  }
0x72: {  	_ =	shalt  }
0x73: {  	_ =	shalt  }
0x74: {  	_ =	shalt  }
0x75: {  	_ =	shalt  }
0x76: {  	_ =	shalt  }
0x77: {  	_ =	shalt  }
0x78: {  	_ =	shalt  }
0x79: {  	_ =	shalt  }
0x7a: {  	_ =	shalt  }
0x7b: {  	_ =	shalt  }
0x7c: {  	_ =	shalt  }
0x7d: {  	_ =	shalt  }
0x7e: {  	_ =	shalt  }
0x7f: {  	_ =	shalt  }
0x80: {  	_ =	shalt  }
0x81: {  	_ =	shalt  }
0x82: {  	_ =	shalt  }
0x83: {  	_ =	shalt  }
0x84: {  	_ =	shalt  }
0x85: {  	_ =	shalt  }
0x86: {  	_ =	shalt  }
0x87: {  	_ =	shalt  }
.Lfunc_end0:
.L_simem_size_0:
called_computation_lowered:
.L_overlay_start_0:
0x88: {  	s2 =	sld [smem:$0x3FD9]  }
0x89: {  	s3 =	sld [smem:$0x3FFE];
	_ =	sdelay $0x1  }
0x8a: {  	s1 =	srdreg.scid  }
0x8b: {  	s0 =	sand.u32 $0x1, s1  }
0x8c: {  	s17 =	sshll.u32 s0, $0xA;
	s2 =	sadd.s32 s3, s2  }
0x8d: {  	s2 =	sadd.s32 s2, s17  }
0x8e: {  	[smem:$0x3FC7] =	sst s2  }
0x8f: {  	_ = 	snop  }
0x90: {  	s2 =	sld [smem:$0x3FD0];
	(tm) =	ssettm $0x1  }
0x91: {  	s18 =	sld [smem:$0x3FFB];
	_ =	sdelay $0x3  }
0x92: {  	_ =	strace s18  }
0x93: {  	s3 =	sld [smem:$0x3FFC];
	_ =	sdelay $0x3  }
0x94: {  	_ =	strace s3  }
0x95: {  	s3 =	sld [smem:$0x3FFD];
	_ =	sdelay $0x3  }
0x96: {  	_ =	strace s3  }
0x97: {  	_ =	strace $0x8FFFFFFF  }
0x98: {  	s19 =	sld [smem:$0x3FDB];
	_ =	sdelay $0x1  }
0x99: {  	s4 =	simm.s32 $_scs_section_size  }
0x9a: {  	s5 =	simm.s32 $_size__tile_overlayer_lowered;
	s6 =	simm.s32 $_tile_overlayer_lowered  }
0x9b: {  	s22 =	simm.s32 $0x1BFF;
	s21 =	sshll.u32 s6, $0x1;
	s3 =	sadd.s32 s4, s19  }
0x9c: {  	s7 =	simm.s32 $0x0;
	s20 =	sshll.u32 s5, $0x1;
	s5 =	sadd.s32 s21, s3  }
0x9d: {  	[timem:s7], [sflag:s22] =	dma.local [hbm:s5], s20  }
0x9e: {  	_ =	swait.ge [sflag:s22], s20  }
0x9f: {  	s4 =	ssub.s32 $0x0, s20;
	[sflag:s22] =	ssyncset.done $0x0  }
0xa0: {  	[sflag:s22] =	ssyncadd.s32 s4;
	_ =	sdelay $0x1  }
0xa1: {  	s23 =	simm.s32 $0x1B8B  }
0xa2: {  	_ =	swait.ge [sflag:s23], $0x1  }
0xa3: {  	[sflag:s23] =	ssyncset.done $0x0  }
0xa4: {  	s25 =	simm.s32 $0x1B8E;
	s24 =	sld [smem:$0x3FFE];
	[sflag:s23] =	ssyncadd.s32 $0xFFFFFFFF  }
0xa5: {  	s26 =	simm.s32 $execute0_lowered;
	[smem:$0x3FD2] =	sst s25  }
0xa6: {  	s5 =	sshll.u32 s26, $0x1;
	_ =	strace $0x80000046;
	[dreg:$0x1] =	wrdreg $0xFFFFFFFF  }
0xa7: {  	s28 =	simm.s32 $_size_execute0_lowered;
	s3 =	sadd.s32 s3, s5;
	[dreg:$0x0] =	wrdreg $0x0  }
0xa8: {  	s5 =	sshll.u32 s28, $0x1;
	[dreg:$0x2] =	wrdreg s3  }
0xa9: {  	[dreg:$0x3] =	wrdreg s5  }
0xaa: {  	[dreg:$0x4] =	wrdreg $0xC0  }
0xab: {  	_ =	task [dreg:s7], $0x5FFFF  }
0xac: {  	[dreg:$0x1] =	wrdreg $0xFFFFFFFF  }
0xad: {  	[dreg:$0x0] =	wrdreg $0x60  }
0xae: {  	[dreg:$0x2] =	wrdreg s2  }
0xaf: {  	[dreg:$0x3] =	wrdreg s24  }
0xb0: {  	[dreg:$0x4] =	wrdreg $0x9  }
0xb1: {  	_ =	task.clear_ibuf [dreg:s7], $0x5FFFF;
	_ =	strace $0x90000046  }
0xb2: {  	s29 =	simm.s32 $0x9;
	_ =	strace $0x80000048  }
0xb3: {  	_ =	swait.ge [sflag:s29], $0x1  }
0xb4: {  	[sflag:s29] =	ssyncadd.s32 $0xFFFFFFFF  }
0xb5: {  	_ =	strace $0x90000048  }
0xb6: {  	_ =	sfence  }
0xb7: {  	s30 =	sld [smem:$0x0];
	_ =	sdelay $0x2  }
0xb8: {  	s31 =	sshll.u32 s1, $0xD;
	s1 =	sshrl.u32 s1, $0x2  }
0xb9: {  	s3 =	sand.u32 $0x4000, s31;
	s1 =	sadd.s32 s1, s30  }
0xba: {  	s0 =	sor.u32 s3, s0;
	s1 =	sshll.u32 s1, $0x11  }
0xbb: {  	s0 =	sor.u32 s1, s0  }
0xbc: {  	s0 =	sadd.s32 $0x8F2B, s0  }
0xbd: {  	[sflag:s0] =	ssyncadd.remote.s32 $0x1  }
0xbe: {  	_ =	sfence.sel $0xFFFF  }
0xbf: {  	[dreg:$0x0] =	wrdreg $0xFFFFFFFF;
	(pc) =	sbr.abs _section_cstart, $3  }
0xc0: {  	[dreg:$0x1] =	wrdreg $0xFFFFFFFF  }
0xc1: {  	_ =	task.clear_ibuf [dreg:s7], $0x2FFFF;
	_ =	strace $0x9FFFFFFF  }
0xc2: {  	(tm) =	ssettm $0x7FFFFFFF  }
0xc3: {  	_ =	shalt  }
tec
execute0_lowered:
.L_overlay_start_1:
0x0: {  	(tag) =	ssettag $0x1  }
0x1: {  	s3 =	rddreg [dreg:$0x0]  }
0x2: {  	s5 =	rddreg [dreg:$0x1]  }
0x3: {  	s1 =	srdreg.scid;
	s0 =	rddreg [dreg:$0x2];
	s2 =	simm.s32 $0x0  }
0x4: {  	s6 =	sand.u32 $0x1, s1;
	s1 =	stileid.u32;
	[smem:$0x7FF] =	sst s2  }
0x5: {  	s4 =	sshll.u32 s6, $0x3;
	s7 =	sshll.u32 s1, $0x4;
	s6 =	ssub.s32 $0x2, s6  }
0x6: {  	_ =	strace $0x80000047;
	s3 =	sadd.s32 s3, s4;
	s31 =	sshrl.u32 s6, $0x1  }
0x7: {  	s4 =	simm.s32 $0x2;
	s3 =	sadd.s32 s7, s3;
	s6 =	ssub.s32 s6, s31  }
0x8: {  	[tilespmem:s2], [sflag:$0x2] =	stream.linear.gather [hbm4b:s3+s2], $0x40, $0x38;
	[tilespmem:$0x100] =	vst v63  }
0x9: {  	s9 =	smax.u32 s6, $0x1;
	_ =	swait.ge [sflag:s4], $0x40  }
0xa: {  	p0 =	sne.s32 s9, $0x1;
	[sflag:s4] =	ssyncset.done $0x0  }
.Ltmp0:
0xb: {  	v0 =	vimm.f32 $-1.000000000e+09;
	[sflag:s4] =	ssyncadd.s32 $0xFFFFFFC0;
	(pc) =	sbr.rel @!p0 .LBB2_2-.Ltmp0, $4  }
0xc: {  	[tilespmem:$0xB0] =	vst v0  }
0xd: {  	[tilespmem:$0xA0] =	vst v0  }
0xe: {  	s8 =	simm.s32 $0x80;
	s5 =	sadd.s32 $0x400, s5;
	[tilespmem:$0x80] =	vst v0  }
0xf: {  	s7 =	simm.s32 $0x1;
	s6 =	simm.s32 $0x40;
	s9 =	sadd.s32 $0xFFFFFFFF, s9;
	[tilespmem:$0x90] =	vst v0  }
.LBB2_1:
0x10: {  	[hbm4b:s5+s6] =	stream.indirect.scatter [tilespmem:s8], [sflag:$0x1], $0x1, s2, s6, $0xb8;
	[tilespmem:$0x100] =	vst v63  }
0x11: {  	p0 =	sne.s32 s9, $0x1;
	s9 =	sadd.s32 $0xFFFFFFFF, s9;
	_ =	swait.ge [sflag:s7], $0x40  }
0x12: {  	[sflag:s7] =	ssyncset.done $0x0  }
0x13: {  	[sflag:s7] =	ssyncadd.s32 $0xFFFFFFC0  }
0x14: {  	[tilespmem:s2], [sflag:$0x2] =	stream.linear.gather [hbm4b:s3+s2], $0x40, $0x38;
	[tilespmem:$0x100] =	vst v63  }
0x15: {  	_ =	swait.ge [sflag:s4], $0x40  }
0x16: {  	[sflag:s4] =	ssyncset.done $0x0  }
.Ltmp1:
0x17: {  	[sflag:s4] =	ssyncadd.s32 $0xFFFFFFC0;
	(pc) =	sbr.rel @p0 .LBB2_1-.Ltmp1, $4  }
0x18: {  	[tilespmem:$0xB0] =	vst v0  }
0x19: {  	[tilespmem:$0xA0] =	vst v0  }
0x1a: {  	[tilespmem:$0x80] =	vst v0  }
0x1b: {  	[tilespmem:$0x90] =	vst v0  }
.LBB2_2:
0x1c: {  	[hbm4b:s5+s6] =	stream.indirect.scatter [tilespmem:s8], [sflag:$0x1], $0x1, s2, s6, $0xb8;
	[tilespmem:$0x100] =	vst v63  }
0x1d: {  	_ =	swait.ge [sflag:s7], $0x40  }
0x1e: {  	[sflag:s7] =	ssyncset.done $0x0  }
0x1f: {  	[sflag:s7] =	ssyncadd.s32 $0xFFFFFFC0  }
0x20: {  	_ =	sfence.sel $0x180000  }
0x21: {  	[bflag:$0x0] =	sbarrier.arrive $0xFFFF  }
0x22: {  	p0 =	sne.s32 s1, $0x0;
	_ =	strace $0x90000047  }
0x23: {  	s0 =	sadd.s32 @!p0 $0x100000, s0;
	[bflag:$0x2] =	sbarrier.arrive $0xFFFF  }
0x24: {  	[sflag:s0] =	ssyncadd.tile.s32 @!p0 $0x1;
	_ =	shalt  }
.Lfunc_end2:
_tile_overlayer_lowered:
.L_overlay_start_2:
0x25: {  	(tag) =	ssettag $0x2  }
0x26: {  	s0 =	rddreg [dreg:$0x0];
	s2 =	stileid.u32  }
0x27: {  	s1 =	rddreg [dreg:$0x1];
	p0 =	sne.s32 s2, $0x0  }
0x28: {  	s3 =	rddreg [dreg:$0x2];
	[bflag:$0x3] =	sbarrier.arrive $0xFFFF;
	s2 =	simm.s32 @!p0 $0x1C02  }
0x29: {  	[timem:s3], [sflag:s2] =	dma.local @!p0 [hbm:s0], s1  }
0x2a: {  	s0 =	simm.s32 @!p0 $0x2  }
0x2b: {  	_ =	swait.ge @!p0 [sflag:s0], s1  }
0x2c: {  	s1 =	ssub.s32 @!p0 $0x0, s1;
	[sflag:s0] =	ssyncset.done @!p0 $0x0  }
0x2d: {  	[sflag:s0] =	ssyncadd.s32 @!p0 s1  }
0x2e: {  	[bflag:$0x3] =	sbarrier.arrive $0xFFFF  }
0x2f: {  	_ =	shalt  }

</sc_bundles>
